<compile_context>
chip_gen: v7x
topology: tpu7x:2x2x1
jax: 0.10.2.dev20260603
libtpu: 0.0.44.dev20260713+nightly
codegen_flags: <defaults>
</compile_context>

<pallas_src>
import functools

import jax
import jax.numpy as jnp
from jax import lax
from jax.experimental import pallas as pl
from jax.experimental.pallas import tpu as pltpu
from jax.experimental.pallas import tpu_sc as plsc

_TK = 2
_LANES = 16


def _act_body(x_ref, act_ref, act16_ref, *, nb, nc, in_ch, inv_count):
    i = pl.program_id(0)

    @pl.when(i == 0)
    def _init():
        for c in range(nc):
            act_ref[c] = 0.0

    xa = jnp.abs(x_ref[...])
    for c in range(nc):
        act_ref[c] += jnp.sum(xa[:, c * in_ch:(c + 1) * in_ch])

    @pl.when(i == nb - 1)
    def _finalize():
        for c in range(nc):
            act_ref[c] = act_ref[c] * inv_count
        for c in range(_LANES):
            act16_ref[c] = act_ref[c] if c < nc else -1.0


def _sc_router_body(act_hbm, idx_hbm, act_v, idx_v):
    wid = lax.axis_index("s") * 2 + lax.axis_index("c")

    @pl.when(wid == 0)
    def _():
        pltpu.sync_copy(act_hbm, act_v)
        keys = act_v[...]
        vals = lax.iota(jnp.int32, _LANES)
        _, sv = plsc.sort_key_val(keys, vals, descending=True)
        idx_v[...] = sv
        pltpu.sync_copy(idx_v.at[pl.ds(0, 8)], idx_hbm)


def _sc_router(act_padded):
    mesh = plsc.VectorSubcoreMesh(core_axis_name="c", subcore_axis_name="s")
    return pl.kernel(
        _sc_router_body,
        out_type=jax.ShapeDtypeStruct((8,), jnp.int32),
        mesh=mesh,
        scratch_types=[pltpu.VMEM((_LANES,), jnp.float32),
                       pltpu.VMEM((_LANES,), jnp.int32)],
        compiler_params=pltpu.CompilerParams(needs_layout_passes=False),
    )(act_padded)


def _mm_body(idx_ref, x_ref, w_ref, b_ref, o_ref):
    c = pl.program_id(0)
    sel = (c == idx_ref[0]) | (c == idx_ref[1])

    @pl.when(sel)
    def _compute():
        acc = jax.lax.dot_general(
            x_ref[...], w_ref[0],
            dimension_numbers=(((1,), (1,)), ((), ())),
            preferred_element_type=jnp.float32)
        o_ref[...] = acc + b_ref[0]

    @pl.when(jnp.logical_not(sel))
    def _zero():
        o_ref[...] = jnp.zeros_like(o_ref)


def kernel(x, W, b):
    n_tok, in_f = x.shape
    nc, out_ch, in_ch = W.shape
    out_f = nc * out_ch

    bn1 = 1024
    nb1 = n_tok // bn1
    act, act16 = pl.pallas_call(
        functools.partial(_act_body, nb=nb1, nc=nc, in_ch=in_ch,
                          inv_count=1.0 / (n_tok * in_ch)),
        grid=(nb1,),
        in_specs=[pl.BlockSpec((bn1, in_f), lambda i: (i, 0))],
        out_specs=[pl.BlockSpec(memory_space=pltpu.SMEM),
                   pl.BlockSpec(memory_space=pltpu.SMEM)],
        out_shape=[jax.ShapeDtypeStruct((nc,), jnp.float32),
                   jax.ShapeDtypeStruct((_LANES,), jnp.float32)],
    )(x)

    idx = _sc_router(act16)

    bn2 = 8192
    nb2 = n_tok // bn2

    def x_map(c, n, idx_ref):
        sel = (c == idx_ref[0]) | (c == idx_ref[1])
        return (jnp.where(sel, n, 0), jnp.where(sel, c, idx_ref[0]))

    def w_map(c, n, idx_ref):
        sel = (c == idx_ref[0]) | (c == idx_ref[1])
        return (jnp.where(sel, c, idx_ref[0]), 0, 0)

    def b_map(c, n, idx_ref):
        sel = (c == idx_ref[0]) | (c == idx_ref[1])
        return (jnp.where(sel, c, idx_ref[0]), 0, 0)

    out = pl.pallas_call(
        _mm_body,
        grid_spec=pltpu.PrefetchScalarGridSpec(
            num_scalar_prefetch=1,
            grid=(nc, nb2),
            in_specs=[
                pl.BlockSpec((bn2, in_ch), x_map),
                pl.BlockSpec((1, out_ch, in_ch), w_map),
                pl.BlockSpec((1, 1, out_ch), b_map),
            ],
            out_specs=pl.BlockSpec((bn2, out_ch), lambda c, n, idx_ref: (n, c)),
        ),
        out_shape=jax.ShapeDtypeStruct((n_tok, out_f), jnp.float32),
    )(idx, x, W, b.reshape(nc, 1, out_ch))

    return out, act

# --- scband reference (transcript-rebuilt; emitter-appended) ---
"""Pipeline reference for scband-block-chunked-routing-10788957847688 (READ-ONLY COPY).

The authoritative reference and input builder live on the scoring server;
editing this copy changes nothing except your own understanding.
"""

import jax, jax.numpy as jnp
import numpy as np

IN_F = 2048
OUT_F = 2048
NC = 8
TK = 2
IN_CH = IN_F // NC
OUT_CH = OUT_F // NC
N_TOK = 8192


def setup_inputs(seed: int = 0) -> dict:
    key = jax.random.key(seed)
    k1, k2, k3 = jax.random.split(key, 3)
    x = jax.random.normal(k1, (N_TOK, IN_F), dtype=jnp.float32)
    # stacked per-chunk Linear weights: W[c] has shape [out_chunk, in_chunk], like nn.Linear
    W = jax.random.normal(k2, (NC, OUT_CH, IN_CH), dtype=jnp.float32) * (1.0 / np.sqrt(IN_CH))
    b = (jax.random.uniform(k3, (NC, OUT_CH), dtype=jnp.float32) - 0.5) * (2.0 / np.sqrt(IN_CH))
    return {"x": x, "W": W, "b": b}


def reference(x, W, b):
    N = x.shape[0]
    # torch.split with equal chunk sizes == reshape into [N, NC, IN_CH]
    xr = x.reshape(N, NC, IN_CH)
    # per-chunk activity: mean of abs over all elements of the chunk (detached in torch via .item())
    activities = jnp.mean(jnp.abs(xr), axis=(0, 2))  # [NC]
    _, topk_idx = jax.lax.top_k(activities, TK)
    mask = jnp.zeros((NC,), dtype=x.dtype).at[topk_idx].set(1.0)
    mask = jax.lax.stop_gradient(mask)
    # y[n, c, o] = sum_i xr[n, c, i] * W[c, o, i] + b[c, o]
    out = jnp.einsum('nci,coi->nco', xr, W) + b[None, :, :]
    # non-selected chunks produce zeros (matches torch.zeros branch)
    out = out * mask[None, :, None]
    out = out.reshape(N, OUT_F)
    return out, activities

if __name__ == "__main__":
    import jax
    _d = setup_inputs()
    print(jax.jit(kernel)(*tuple(_d.values())))

</pallas_src>

<mosaic_0001>
#map = affine_map<(d0, d1) -> (0)>
module attributes {stable_mosaic.version = 14 : i64} {
  func.func @_sc_router_body(%arg0: i32, %arg1: i32, %arg2: memref<16xf32, #tpu.memory_space<hbm>>, %arg3: memref<8xi32, #tpu.memory_space<hbm>>, %arg4: memref<16xf32, #tpu.memory_space<vmem>>, %arg5: memref<16xi32, #tpu.memory_space<vmem>>) attributes {dimension_semantics = [#tpu.dimension_semantics<core_parallel>, #tpu.dimension_semantics<subcore_parallel>], iteration_bounds = array<i64: 2, 16>, scalar_prefetch = 0 : i64, scratch_operands = 2 : i64, tpu.core_type = #tpu.core_type<sc_vector_subcore>, window_params = [{transform_indices = #map}, {transform_indices = #map}]} {
    %mul3A = arith.constant 2 : i32
    %mul3A_0 = arith.muli %arg1, %mul3A : i32
    %add3A = arith.addi %mul3A_0, %arg0 : i32
    %eq3A = arith.constant 0 : i32
    %eq3A_1 = arith.cmpi eq, %add3A, %eq3A : i32
    %convert_element_type3A = arith.extui %eq3A_1 : i1 to i32
    %cond3A = arith.constant 0 : i32
    %cond3A_2 = arith.cmpi ne, %convert_element_type3A, %cond3A : i32
    scf.if %cond3A_2 {
      "tpu.region"() ({
        %run_scoped3A = tpu.sem_alloc : memref<!tpu.dma_semaphore, #tpu.memory_space<semaphore_mem>>
        tpu.enqueue_dma source(%arg2 : memref<16xf32, #tpu.memory_space<hbm>>) target(%arg4 : memref<16xf32, #tpu.memory_space<vmem>>) target_semaphore(%run_scoped3A : memref<!tpu.dma_semaphore, #tpu.memory_space<semaphore_mem>>)
        tpu.wait_dma2 semaphore(%run_scoped3A : memref<!tpu.dma_semaphore, #tpu.memory_space<semaphore_mem>>) src(%arg2 : memref<16xf32, #tpu.memory_space<hbm>>) dst(%arg4 : memref<16xf32, #tpu.memory_space<vmem>>)
        tpu.yield
      }) : () -> ()
      %get3A = arith.constant 0 : index
      %get3A_3 = tpu.vector_load %arg4[%get3A] {strides = array<i32>} : memref<16xf32, #tpu.memory_space<vmem>>, vector<16xf32>,
      %iota3A = tpu.iota {dimensions = array<i32: 0>} : vector<16xi32>
      %masked_sort3A = arith.constant dense<true> : vector<16xi1>
      %masked_sort3A_4, %masked_sort3A_5, %masked_sort3A_6 = tpu.sort %get3A_3, %iota3A masked %masked_sort3A {descending = true} : (vector<16xf32>, vector<16xi32>, vector<16xi1>) -> (vector<16xi1>, vector<16xf32>, vector<16xi32>)
      %swap3A = arith.constant 0 : index
      %swap3A_7 = tpu.vector_load %arg5[%swap3A] {strides = array<i32>} : memref<16xi32, #tpu.memory_space<vmem>>, vector<16xi32>,
      tpu.vector_store %arg5[%swap3A], %masked_sort3A_6 {strides = array<i32>} : memref<16xi32, #tpu.memory_space<vmem>>, vector<16xi32>,
      "tpu.region"() ({
        %run_scoped3A = tpu.sem_alloc : memref<!tpu.dma_semaphore, #tpu.memory_space<semaphore_mem>>
        %dma_start3A = arith.constant 0 : i32
        %dma_start3A_8 = tpu.memref_slice %arg5[%dma_start3A] : memref<16xi32, #tpu.memory_space<vmem>> -> memref<8xi32, #tpu.memory_space<vmem>>
        %dma_start3A_9 = arith.constant 0 : i32
        %dma_start3A_10 = tpu.memref_slice %arg5[%dma_start3A_9] : memref<16xi32, #tpu.memory_space<vmem>> -> memref<8xi32, #tpu.memory_space<vmem>>
        tpu.enqueue_dma source(%dma_start3A_10 : memref<8xi32, #tpu.memory_space<vmem>>) target(%arg3 : memref<8xi32, #tpu.memory_space<hbm>>) target_semaphore(%run_scoped3A : memref<!tpu.dma_semaphore, #tpu.memory_space<semaphore_mem>>)
        %dma_wait3A = arith.constant 0 : i32
        %dma_wait3A_11 = tpu.memref_slice %arg5[%dma_wait3A] : memref<16xi32, #tpu.memory_space<vmem>> -> memref<8xi32, #tpu.memory_space<vmem>>
        %dma_wait3A_12 = arith.constant 0 : i32
        %dma_wait3A_13 = tpu.memref_slice %arg5[%dma_wait3A_12] : memref<16xi32, #tpu.memory_space<vmem>> -> memref<8xi32, #tpu.memory_space<vmem>>
        tpu.wait_dma2 semaphore(%run_scoped3A : memref<!tpu.dma_semaphore, #tpu.memory_space<semaphore_mem>>) src(%dma_wait3A_13 : memref<8xi32, #tpu.memory_space<vmem>>) dst(%arg3 : memref<8xi32, #tpu.memory_space<hbm>>)
        tpu.yield
      }) : () -> ()
    } else {
    }
    return
  }
}

module attributes {stable_mosaic.version = 14 : i64} {
  func.func @_mm_body(%arg0: i32, %arg1: i32, %arg2: memref<8xi32, #tpu.memory_space<smem>>, %arg3: memref<8192x256xf32, #tpu.memory_space<vmem>>, %arg4: memref<1x256x256xf32, #tpu.memory_space<vmem>>, %arg5: memref<1x1x256xf32, #tpu.memory_space<vmem>>, %arg6: memref<8192x256xf32, #tpu.memory_space<vmem>>) attributes {dimension_semantics = [#tpu.dimension_semantics<arbitrary>, #tpu.dimension_semantics<arbitrary>], iteration_bounds = array<i64: 8, 1>, scalar_prefetch = 1 : i64, scratch_operands = 0 : i64, tpu.core_type = #tpu.core_type<tc>, window_params = [{transform_indices = @transform_0, window_bounds = array<i64: 8192, 256>}, {transform_indices = @transform_1, window_bounds = array<i64: 1, 256, 256>}, {transform_indices = @transform_2, window_bounds = array<i64: 1, 1, 256>}, {transform_indices = @transform_3, window_bounds = array<i64: 8192, 256>}]} {
    %get3A = arith.constant 0 : index
    %get3A_0 = memref.load %arg2[%get3A] : memref<8xi32, #tpu.memory_space<smem>>
    %eq3A = arith.cmpi eq, %arg0, %get3A_0 : i32
    %get3A_1 = arith.constant 1 : index
    %get3A_2 = memref.load %arg2[%get3A_1] : memref<8xi32, #tpu.memory_space<smem>>
    %eq3A_3 = arith.cmpi eq, %arg0, %get3A_2 : i32
    %or3A = arith.ori %eq3A, %eq3A_3 : i1
    %convert_element_type3A = arith.extui %or3A : i1 to i32
    %cond3A = arith.constant 0 : i32
    %cond3A_4 = arith.cmpi ne, %convert_element_type3A, %cond3A : i32
    scf.if %cond3A_4 {
      %get3A_9 = arith.constant 0 : index
      %get3A_10 = arith.constant 0 : index
      %get3A_11 = vector.load %arg3[%get3A_9, %get3A_10] : memref<8192x256xf32, #tpu.memory_space<vmem>>, vector<8192x256xf32>
      %get3A_12 = arith.constant 0 : index
      %get3A_13 = arith.constant 0 : index
      %get3A_14 = arith.constant 0 : index
      %get3A_15 = vector.load %arg4[%get3A_12, %get3A_13, %get3A_14] : memref<1x256x256xf32, #tpu.memory_space<vmem>>, vector<1x256x256xf32>
      %get3A_16 = vector.shape_cast %get3A_15 : vector<1x256x256xf32> to vector<256x256xf32>
      %dot_general3A = arith.constant dense<0.000000e+00> : vector<8192x256xf32>
      %dot_general3A_17 = tpu.matmul %get3A_11, %get3A_16, %dot_general3A {dimension_numbers = #tpu.dot_dimension_numbers<[1], [1], [0], [0], [0, 0, 1, 0], [], []>, transpose_lhs_hint = false} : vector<8192x256xf32>, vector<256x256xf32>, vector<8192x256xf32> -> vector<8192x256xf32>
      %get3A_18 = arith.constant 0 : index
      %get3A_19 = arith.constant 0 : index
      %get3A_20 = arith.constant 0 : index
      %get3A_21 = vector.load %arg5[%get3A_18, %get3A_19, %get3A_20] : memref<1x1x256xf32, #tpu.memory_space<vmem>>, vector<1x1x256xf32>
      %get3A_22 = vector.shape_cast %get3A_21 : vector<1x1x256xf32> to vector<1x256xf32>
      %add3A = vector.broadcast %get3A_22 : vector<1x256xf32> to vector<8192x256xf32>
      %add3A_23 = arith.addf %dot_general3A_17, %add3A : vector<8192x256xf32>
      %swap3A = arith.constant 0 : index
      %swap3A_24 = arith.constant 0 : index
      %swap3A_25 = vector.load %arg6[%swap3A, %swap3A_24] : memref<8192x256xf32, #tpu.memory_space<vmem>>, vector<8192x256xf32>
      tpu.vector_store %arg6[%swap3A, %swap3A_24], %add3A_23 {strides = array<i32>} : memref<8192x256xf32, #tpu.memory_space<vmem>>, vector<8192x256xf32>,
    } else {
    }
    %not3A = arith.constant true
    %not3A_5 = arith.xori %or3A, %not3A : i1
    %convert_element_type3A_6 = arith.extui %not3A_5 : i1 to i32
    %cond3A_7 = arith.constant 0 : i32
    %cond3A_8 = arith.cmpi ne, %convert_element_type3A_6, %cond3A_7 : i32
    scf.if %cond3A_8 {
      %broadcast_in_dim3A = arith.constant 0.000000e+00 : f32
      %broadcast_in_dim3A_9 = vector.broadcast %broadcast_in_dim3A : f32 to vector<8192x256xf32>
      %swap3A = arith.constant 0 : index
      %swap3A_10 = arith.constant 0 : index
      %swap3A_11 = vector.load %arg6[%swap3A, %swap3A_10] : memref<8192x256xf32, #tpu.memory_space<vmem>>, vector<8192x256xf32>
      tpu.vector_store %arg6[%swap3A, %swap3A_10], %broadcast_in_dim3A_9 {strides = array<i32>} : memref<8192x256xf32, #tpu.memory_space<vmem>>, vector<8192x256xf32>,
    } else {
    }
    return
  }
  func.func @transform_0(%arg0: i32, %arg1: i32, %arg2: memref<8xi32, #tpu.memory_space<smem>>) -> (i32, i32) {
    %get3A = arith.constant 0 : index
    %get3A_0 = memref.load %arg2[%get3A] : memref<8xi32, #tpu.memory_space<smem>>
    %eq3A = arith.cmpi eq, %arg0, %get3A_0 : i32
    %get3A_1 = arith.constant 1 : index
    %get3A_2 = memref.load %arg2[%get3A_1] : memref<8xi32, #tpu.memory_space<smem>>
    %eq3A_3 = arith.cmpi eq, %arg0, %get3A_2 : i32
    %or3A = arith.ori %eq3A, %eq3A_3 : i1
    %jit3A = arith.constant 0 : i32
    %select_n3A = arith.select %or3A, %arg1, %jit3A : i32
    %get3A_4 = arith.constant 0 : index
    %get3A_5 = memref.load %arg2[%get3A_4] : memref<8xi32, #tpu.memory_space<smem>>
    %select_n3A_6 = arith.select %or3A, %arg0, %get3A_5 : i32
    %c0_i32 = arith.constant 0 : i32
    return %select_n3A, %select_n3A_6 : i32, i32
  }
  func.func @transform_1(%arg0: i32, %arg1: i32, %arg2: memref<8xi32, #tpu.memory_space<smem>>) -> (i32, i32, i32) {
    %get3A = arith.constant 0 : index
    %get3A_0 = memref.load %arg2[%get3A] : memref<8xi32, #tpu.memory_space<smem>>
    %eq3A = arith.cmpi eq, %arg0, %get3A_0 : i32
    %get3A_1 = arith.constant 1 : index
    %get3A_2 = memref.load %arg2[%get3A_1] : memref<8xi32, #tpu.memory_space<smem>>
    %eq3A_3 = arith.cmpi eq, %arg0, %get3A_2 : i32
    %or3A = arith.ori %eq3A, %eq3A_3 : i1
    %get3A_4 = arith.constant 0 : index
    %get3A_5 = memref.load %arg2[%get3A_4] : memref<8xi32, #tpu.memory_space<smem>>
    %select_n3A = arith.select %or3A, %arg0, %get3A_5 : i32
    %c0_i32 = arith.constant 0 : i32
    %c0_i32_6 = arith.constant 0 : i32
    %c0_i32_7 = arith.constant 0 : i32
    return %select_n3A, %c0_i32, %c0_i32_6 : i32, i32, i32
  }
  func.func @transform_2(%arg0: i32, %arg1: i32, %arg2: memref<8xi32, #tpu.memory_space<smem>>) -> (i32, i32, i32) {
    %get3A = arith.constant 0 : index
    %get3A_0 = memref.load %arg2[%get3A] : memref<8xi32, #tpu.memory_space<smem>>
    %eq3A = arith.cmpi eq, %arg0, %get3A_0 : i32
    %get3A_1 = arith.constant 1 : index
    %get3A_2 = memref.load %arg2[%get3A_1] : memref<8xi32, #tpu.memory_space<smem>>
    %eq3A_3 = arith.cmpi eq, %arg0, %get3A_2 : i32
    %or3A = arith.ori %eq3A, %eq3A_3 : i1
    %get3A_4 = arith.constant 0 : index
    %get3A_5 = memref.load %arg2[%get3A_4] : memref<8xi32, #tpu.memory_space<smem>>
    %select_n3A = arith.select %or3A, %arg0, %get3A_5 : i32
    %c0_i32 = arith.constant 0 : i32
    %c0_i32_6 = arith.constant 0 : i32
    %c0_i32_7 = arith.constant 0 : i32
    return %select_n3A, %c0_i32, %c0_i32_6 : i32, i32, i32
  }
  func.func @transform_3(%arg0: i32, %arg1: i32, %arg2: memref<8xi32, #tpu.memory_space<smem>>) -> (i32, i32) {
    %c0_i32 = arith.constant 0 : i32
    return %arg1, %arg0 : i32, i32
  }
}

module attributes {stable_mosaic.version = 14 : i64} {
  func.func @_act_body(%arg0: i32, %arg1: memref<1024x2048xf32, #tpu.memory_space<vmem>>, %arg2: memref<8xf32, #tpu.memory_space<smem>>, %arg3: memref<16xf32, #tpu.memory_space<smem>>) attributes {dimension_semantics = [#tpu.dimension_semantics<arbitrary>], iteration_bounds = array<i64: 8>, scalar_prefetch = 0 : i64, scratch_operands = 0 : i64, tpu.core_type = #tpu.core_type<tc>, window_params = [{transform_indices = @transform_0, window_bounds = array<i64: 1024, 2048>}, {transform_indices = @transform_1, window_bounds = array<i64: 8>}, {transform_indices = @transform_2, window_bounds = array<i64: 16>}]} {
    %eq3A = arith.constant 0 : i32
    %eq3A_0 = arith.cmpi eq, %arg0, %eq3A : i32
    %convert_element_type3A = arith.extui %eq3A_0 : i1 to i32
    %cond3A = arith.constant 0 : i32
    %cond3A_1 = arith.cmpi ne, %convert_element_type3A, %cond3A : i32
    scf.if %cond3A_1 {
      %swap3A_93 = arith.constant 0.000000e+00 : f32
      %swap3A_94 = arith.constant 0 : index
      %swap3A_95 = memref.load %arg2[%swap3A_94] : memref<8xf32, #tpu.memory_space<smem>>
      memref.store %swap3A_93, %arg2[%swap3A_94] : memref<8xf32, #tpu.memory_space<smem>>
      %swap3A_96 = arith.constant 0.000000e+00 : f32
      %swap3A_97 = arith.constant 1 : index
      %swap3A_98 = memref.load %arg2[%swap3A_97] : memref<8xf32, #tpu.memory_space<smem>>
      memref.store %swap3A_96, %arg2[%swap3A_97] : memref<8xf32, #tpu.memory_space<smem>>
      %swap3A_99 = arith.constant 0.000000e+00 : f32
      %swap3A_100 = arith.constant 2 : index
      %swap3A_101 = memref.load %arg2[%swap3A_100] : memref<8xf32, #tpu.memory_space<smem>>
      memref.store %swap3A_99, %arg2[%swap3A_100] : memref<8xf32, #tpu.memory_space<smem>>
      %swap3A_102 = arith.constant 0.000000e+00 : f32
      %swap3A_103 = arith.constant 3 : index
      %swap3A_104 = memref.load %arg2[%swap3A_103] : memref<8xf32, #tpu.memory_space<smem>>
      memref.store %swap3A_102, %arg2[%swap3A_103] : memref<8xf32, #tpu.memory_space<smem>>
      %swap3A_105 = arith.constant 0.000000e+00 : f32
      %swap3A_106 = arith.constant 4 : index
      %swap3A_107 = memref.load %arg2[%swap3A_106] : memref<8xf32, #tpu.memory_space<smem>>
      memref.store %swap3A_105, %arg2[%swap3A_106] : memref<8xf32, #tpu.memory_space<smem>>
      %swap3A_108 = arith.constant 0.000000e+00 : f32
      %swap3A_109 = arith.constant 5 : index
      %swap3A_110 = memref.load %arg2[%swap3A_109] : memref<8xf32, #tpu.memory_space<smem>>
      memref.store %swap3A_108, %arg2[%swap3A_109] : memref<8xf32, #tpu.memory_space<smem>>
      %swap3A_111 = arith.constant 0.000000e+00 : f32
      %swap3A_112 = arith.constant 6 : index
      %swap3A_113 = memref.load %arg2[%swap3A_112] : memref<8xf32, #tpu.memory_space<smem>>
      memref.store %swap3A_111, %arg2[%swap3A_112] : memref<8xf32, #tpu.memory_space<smem>>
      %swap3A_114 = arith.constant 0.000000e+00 : f32
      %swap3A_115 = arith.constant 7 : index
      %swap3A_116 = memref.load %arg2[%swap3A_115] : memref<8xf32, #tpu.memory_space<smem>>
      memref.store %swap3A_114, %arg2[%swap3A_115] : memref<8xf32, #tpu.memory_space<smem>>
    } else {
    }
    %get3A = arith.constant 0 : index
    %get3A_2 = arith.constant 0 : index
    %get3A_3 = vector.load %arg1[%get3A, %get3A_2] : memref<1024x2048xf32, #tpu.memory_space<vmem>>, vector<1024x2048xf32>
    %abs3A = math.absf %get3A_3 : vector<1024x2048xf32>
    %get3A_4 = arith.constant 0 : index
    %get3A_5 = memref.load %arg2[%get3A_4] : memref<8xf32, #tpu.memory_space<smem>>
    %slice3A = vector.extract_strided_slice %abs3A {offsets = [0, 0], sizes = [1024, 256], strides = [1, 1]} : vector<1024x2048xf32> to vector<1024x256xf32>
    %reduce_sum3A = vector.shape_cast %slice3A : vector<1024x256xf32> to vector<1x1024x256xf32>
    %reduce_sum3A_6 = arith.constant dense<0.000000e+00> : vector<1xf32>
    %reduce_sum3A_7 = vector.multi_reduction <add>, %reduce_sum3A, %reduce_sum3A_6 [1, 2] : vector<1x1024x256xf32> to vector<1xf32>
    %reduce_sum3A_8 = vector.shape_cast %reduce_sum3A_7 : vector<1xf32> to vector<1x1x1xf32>
    %reduce_sum3A_9 = vector.extract %reduce_sum3A_8[0, 0, 0] : f32 from vector<1x1x1xf32>
    %add3A = arith.addf %get3A_5, %reduce_sum3A_9 : f32
    %swap3A = arith.constant 0 : index
    %swap3A_10 = memref.load %arg2[%swap3A] : memref<8xf32, #tpu.memory_space<smem>>
    memref.store %add3A, %arg2[%swap3A] : memref<8xf32, #tpu.memory_space<smem>>
    %get3A_11 = arith.constant 1 : index
    %get3A_12 = memref.load %arg2[%get3A_11] : memref<8xf32, #tpu.memory_space<smem>>
    %slice3A_13 = vector.extract_strided_slice %abs3A {offsets = [0, 256], sizes = [1024, 256], strides = [1, 1]} : vector<1024x2048xf32> to vector<1024x256xf32>
    %reduce_sum3A_14 = vector.shape_cast %slice3A_13 : vector<1024x256xf32> to vector<1x1024x256xf32>
    %reduce_sum3A_15 = arith.constant dense<0.000000e+00> : vector<1xf32>
    %reduce_sum3A_16 = vector.multi_reduction <add>, %reduce_sum3A_14, %reduce_sum3A_15 [1, 2] : vector<1x1024x256xf32> to vector<1xf32>
    %reduce_sum3A_17 = vector.shape_cast %reduce_sum3A_16 : vector<1xf32> to vector<1x1x1xf32>
    %reduce_sum3A_18 = vector.extract %reduce_sum3A_17[0, 0, 0] : f32 from vector<1x1x1xf32>
    %add3A_19 = arith.addf %get3A_12, %reduce_sum3A_18 : f32
    %swap3A_20 = arith.constant 1 : index
    %swap3A_21 = memref.load %arg2[%swap3A_20] : memref<8xf32, #tpu.memory_space<smem>>
    memref.store %add3A_19, %arg2[%swap3A_20] : memref<8xf32, #tpu.memory_space<smem>>
    %get3A_22 = arith.constant 2 : index
    %get3A_23 = memref.load %arg2[%get3A_22] : memref<8xf32, #tpu.memory_space<smem>>
    %slice3A_24 = vector.extract_strided_slice %abs3A {offsets = [0, 512], sizes = [1024, 256], strides = [1, 1]} : vector<1024x2048xf32> to vector<1024x256xf32>
    %reduce_sum3A_25 = vector.shape_cast %slice3A_24 : vector<1024x256xf32> to vector<1x1024x256xf32>
    %reduce_sum3A_26 = arith.constant dense<0.000000e+00> : vector<1xf32>
    %reduce_sum3A_27 = vector.multi_reduction <add>, %reduce_sum3A_25, %reduce_sum3A_26 [1, 2] : vector<1x1024x256xf32> to vector<1xf32>
    %reduce_sum3A_28 = vector.shape_cast %reduce_sum3A_27 : vector<1xf32> to vector<1x1x1xf32>
    %reduce_sum3A_29 = vector.extract %reduce_sum3A_28[0, 0, 0] : f32 from vector<1x1x1xf32>
    %add3A_30 = arith.addf %get3A_23, %reduce_sum3A_29 : f32
    %swap3A_31 = arith.constant 2 : index
    %swap3A_32 = memref.load %arg2[%swap3A_31] : memref<8xf32, #tpu.memory_space<smem>>
    memref.store %add3A_30, %arg2[%swap3A_31] : memref<8xf32, #tpu.memory_space<smem>>
    %get3A_33 = arith.constant 3 : index
    %get3A_34 = memref.load %arg2[%get3A_33] : memref<8xf32, #tpu.memory_space<smem>>
    %slice3A_35 = vector.extract_strided_slice %abs3A {offsets = [0, 768], sizes = [1024, 256], strides = [1, 1]} : vector<1024x2048xf32> to vector<1024x256xf32>
    %reduce_sum3A_36 = vector.shape_cast %slice3A_35 : vector<1024x256xf32> to vector<1x1024x256xf32>
    %reduce_sum3A_37 = arith.constant dense<0.000000e+00> : vector<1xf32>
    %reduce_sum3A_38 = vector.multi_reduction <add>, %reduce_sum3A_36, %reduce_sum3A_37 [1, 2] : vector<1x1024x256xf32> to vector<1xf32>
    %reduce_sum3A_39 = vector.shape_cast %reduce_sum3A_38 : vector<1xf32> to vector<1x1x1xf32>
    %reduce_sum3A_40 = vector.extract %reduce_sum3A_39[0, 0, 0] : f32 from vector<1x1x1xf32>
    %add3A_41 = arith.addf %get3A_34, %reduce_sum3A_40 : f32
    %swap3A_42 = arith.constant 3 : index
    %swap3A_43 = memref.load %arg2[%swap3A_42] : memref<8xf32, #tpu.memory_space<smem>>
    memref.store %add3A_41, %arg2[%swap3A_42] : memref<8xf32, #tpu.memory_space<smem>>
    %get3A_44 = arith.constant 4 : index
    %get3A_45 = memref.load %arg2[%get3A_44] : memref<8xf32, #tpu.memory_space<smem>>
    %slice3A_46 = vector.extract_strided_slice %abs3A {offsets = [0, 1024], sizes = [1024, 256], strides = [1, 1]} : vector<1024x2048xf32> to vector<1024x256xf32>
    %reduce_sum3A_47 = vector.shape_cast %slice3A_46 : vector<1024x256xf32> to vector<1x1024x256xf32>
    %reduce_sum3A_48 = arith.constant dense<0.000000e+00> : vector<1xf32>
    %reduce_sum3A_49 = vector.multi_reduction <add>, %reduce_sum3A_47, %reduce_sum3A_48 [1, 2] : vector<1x1024x256xf32> to vector<1xf32>
    %reduce_sum3A_50 = vector.shape_cast %reduce_sum3A_49 : vector<1xf32> to vector<1x1x1xf32>
    %reduce_sum3A_51 = vector.extract %reduce_sum3A_50[0, 0, 0] : f32 from vector<1x1x1xf32>
    %add3A_52 = arith.addf %get3A_45, %reduce_sum3A_51 : f32
    %swap3A_53 = arith.constant 4 : index
    %swap3A_54 = memref.load %arg2[%swap3A_53] : memref<8xf32, #tpu.memory_space<smem>>
    memref.store %add3A_52, %arg2[%swap3A_53] : memref<8xf32, #tpu.memory_space<smem>>
    %get3A_55 = arith.constant 5 : index
    %get3A_56 = memref.load %arg2[%get3A_55] : memref<8xf32, #tpu.memory_space<smem>>
    %slice3A_57 = vector.extract_strided_slice %abs3A {offsets = [0, 1280], sizes = [1024, 256], strides = [1, 1]} : vector<1024x2048xf32> to vector<1024x256xf32>
    %reduce_sum3A_58 = vector.shape_cast %slice3A_57 : vector<1024x256xf32> to vector<1x1024x256xf32>
    %reduce_sum3A_59 = arith.constant dense<0.000000e+00> : vector<1xf32>
    %reduce_sum3A_60 = vector.multi_reduction <add>, %reduce_sum3A_58, %reduce_sum3A_59 [1, 2] : vector<1x1024x256xf32> to vector<1xf32>
    %reduce_sum3A_61 = vector.shape_cast %reduce_sum3A_60 : vector<1xf32> to vector<1x1x1xf32>
    %reduce_sum3A_62 = vector.extract %reduce_sum3A_61[0, 0, 0] : f32 from vector<1x1x1xf32>
    %add3A_63 = arith.addf %get3A_56, %reduce_sum3A_62 : f32
    %swap3A_64 = arith.constant 5 : index
    %swap3A_65 = memref.load %arg2[%swap3A_64] : memref<8xf32, #tpu.memory_space<smem>>
    memref.store %add3A_63, %arg2[%swap3A_64] : memref<8xf32, #tpu.memory_space<smem>>
    %get3A_66 = arith.constant 6 : index
    %get3A_67 = memref.load %arg2[%get3A_66] : memref<8xf32, #tpu.memory_space<smem>>
    %slice3A_68 = vector.extract_strided_slice %abs3A {offsets = [0, 1536], sizes = [1024, 256], strides = [1, 1]} : vector<1024x2048xf32> to vector<1024x256xf32>
    %reduce_sum3A_69 = vector.shape_cast %slice3A_68 : vector<1024x256xf32> to vector<1x1024x256xf32>
    %reduce_sum3A_70 = arith.constant dense<0.000000e+00> : vector<1xf32>
    %reduce_sum3A_71 = vector.multi_reduction <add>, %reduce_sum3A_69, %reduce_sum3A_70 [1, 2] : vector<1x1024x256xf32> to vector<1xf32>
    %reduce_sum3A_72 = vector.shape_cast %reduce_sum3A_71 : vector<1xf32> to vector<1x1x1xf32>
    %reduce_sum3A_73 = vector.extract %reduce_sum3A_72[0, 0, 0] : f32 from vector<1x1x1xf32>
    %add3A_74 = arith.addf %get3A_67, %reduce_sum3A_73 : f32
    %swap3A_75 = arith.constant 6 : index
    %swap3A_76 = memref.load %arg2[%swap3A_75] : memref<8xf32, #tpu.memory_space<smem>>
    memref.store %add3A_74, %arg2[%swap3A_75] : memref<8xf32, #tpu.memory_space<smem>>
    %get3A_77 = arith.constant 7 : index
    %get3A_78 = memref.load %arg2[%get3A_77] : memref<8xf32, #tpu.memory_space<smem>>
    %slice3A_79 = vector.extract_strided_slice %abs3A {offsets = [0, 1792], sizes = [1024, 256], strides = [1, 1]} : vector<1024x2048xf32> to vector<1024x256xf32>
    %reduce_sum3A_80 = vector.shape_cast %slice3A_79 : vector<1024x256xf32> to vector<1x1024x256xf32>
    %reduce_sum3A_81 = arith.constant dense<0.000000e+00> : vector<1xf32>
    %reduce_sum3A_82 = vector.multi_reduction <add>, %reduce_sum3A_80, %reduce_sum3A_81 [1, 2] : vector<1x1024x256xf32> to vector<1xf32>
    %reduce_sum3A_83 = vector.shape_cast %reduce_sum3A_82 : vector<1xf32> to vector<1x1x1xf32>
    %reduce_sum3A_84 = vector.extract %reduce_sum3A_83[0, 0, 0] : f32 from vector<1x1x1xf32>
    %add3A_85 = arith.addf %get3A_78, %reduce_sum3A_84 : f32
    %swap3A_86 = arith.constant 7 : index
    %swap3A_87 = memref.load %arg2[%swap3A_86] : memref<8xf32, #tpu.memory_space<smem>>
    memref.store %add3A_85, %arg2[%swap3A_86] : memref<8xf32, #tpu.memory_space<smem>>
    %eq3A_88 = arith.constant 7 : i32
    %eq3A_89 = arith.cmpi eq, %arg0, %eq3A_88 : i32
    %convert_element_type3A_90 = arith.extui %eq3A_89 : i1 to i32
    %cond3A_91 = arith.constant 0 : i32
    %cond3A_92 = arith.cmpi ne, %convert_element_type3A_90, %cond3A_91 : i32
    scf.if %cond3A_92 {
      %get3A_93 = arith.constant 0 : index
      %get3A_94 = memref.load %arg2[%get3A_93] : memref<8xf32, #tpu.memory_space<smem>>
      %mul3A = arith.constant 4.76837158E-7 : f32
      %mul3A_95 = arith.mulf %get3A_94, %mul3A : f32
      %swap3A_96 = arith.constant 0 : index
      %swap3A_97 = memref.load %arg2[%swap3A_96] : memref<8xf32, #tpu.memory_space<smem>>
      memref.store %mul3A_95, %arg2[%swap3A_96] : memref<8xf32, #tpu.memory_space<smem>>
      %get3A_98 = arith.constant 1 : index
      %get3A_99 = memref.load %arg2[%get3A_98] : memref<8xf32, #tpu.memory_space<smem>>
      %mul3A_100 = arith.constant 4.76837158E-7 : f32
      %mul3A_101 = arith.mulf %get3A_99, %mul3A_100 : f32
      %swap3A_102 = arith.constant 1 : index
      %swap3A_103 = memref.load %arg2[%swap3A_102] : memref<8xf32, #tpu.memory_space<smem>>
      memref.store %mul3A_101, %arg2[%swap3A_102] : memref<8xf32, #tpu.memory_space<smem>>
      %get3A_104 = arith.constant 2 : index
      %get3A_105 = memref.load %arg2[%get3A_104] : memref<8xf32, #tpu.memory_space<smem>>
      %mul3A_106 = arith.constant 4.76837158E-7 : f32
      %mul3A_107 = arith.mulf %get3A_105, %mul3A_106 : f32
      %swap3A_108 = arith.constant 2 : index
      %swap3A_109 = memref.load %arg2[%swap3A_108] : memref<8xf32, #tpu.memory_space<smem>>
      memref.store %mul3A_107, %arg2[%swap3A_108] : memref<8xf32, #tpu.memory_space<smem>>
      %get3A_110 = arith.constant 3 : index
      %get3A_111 = memref.load %arg2[%get3A_110] : memref<8xf32, #tpu.memory_space<smem>>
      %mul3A_112 = arith.constant 4.76837158E-7 : f32
      %mul3A_113 = arith.mulf %get3A_111, %mul3A_112 : f32
      %swap3A_114 = arith.constant 3 : index
      %swap3A_115 = memref.load %arg2[%swap3A_114] : memref<8xf32, #tpu.memory_space<smem>>
      memref.store %mul3A_113, %arg2[%swap3A_114] : memref<8xf32, #tpu.memory_space<smem>>
      %get3A_116 = arith.constant 4 : index
      %get3A_117 = memref.load %arg2[%get3A_116] : memref<8xf32, #tpu.memory_space<smem>>
      %mul3A_118 = arith.constant 4.76837158E-7 : f32
      %mul3A_119 = arith.mulf %get3A_117, %mul3A_118 : f32
      %swap3A_120 = arith.constant 4 : index
      %swap3A_121 = memref.load %arg2[%swap3A_120] : memref<8xf32, #tpu.memory_space<smem>>
      memref.store %mul3A_119, %arg2[%swap3A_120] : memref<8xf32, #tpu.memory_space<smem>>
      %get3A_122 = arith.constant 5 : index
      %get3A_123 = memref.load %arg2[%get3A_122] : memref<8xf32, #tpu.memory_space<smem>>
      %mul3A_124 = arith.constant 4.76837158E-7 : f32
      %mul3A_125 = arith.mulf %get3A_123, %mul3A_124 : f32
      %swap3A_126 = arith.constant 5 : index
      %swap3A_127 = memref.load %arg2[%swap3A_126] : memref<8xf32, #tpu.memory_space<smem>>
      memref.store %mul3A_125, %arg2[%swap3A_126] : memref<8xf32, #tpu.memory_space<smem>>
      %get3A_128 = arith.constant 6 : index
      %get3A_129 = memref.load %arg2[%get3A_128] : memref<8xf32, #tpu.memory_space<smem>>
      %mul3A_130 = arith.constant 4.76837158E-7 : f32
      %mul3A_131 = arith.mulf %get3A_129, %mul3A_130 : f32
      %swap3A_132 = arith.constant 6 : index
      %swap3A_133 = memref.load %arg2[%swap3A_132] : memref<8xf32, #tpu.memory_space<smem>>
      memref.store %mul3A_131, %arg2[%swap3A_132] : memref<8xf32, #tpu.memory_space<smem>>
      %get3A_134 = arith.constant 7 : index
      %get3A_135 = memref.load %arg2[%get3A_134] : memref<8xf32, #tpu.memory_space<smem>>
      %mul3A_136 = arith.constant 4.76837158E-7 : f32
      %mul3A_137 = arith.mulf %get3A_135, %mul3A_136 : f32
      %swap3A_138 = arith.constant 7 : index
      %swap3A_139 = memref.load %arg2[%swap3A_138] : memref<8xf32, #tpu.memory_space<smem>>
      memref.store %mul3A_137, %arg2[%swap3A_138] : memref<8xf32, #tpu.memory_space<smem>>
      %get3A_140 = arith.constant 0 : index
      %get3A_141 = memref.load %arg2[%get3A_140] : memref<8xf32, #tpu.memory_space<smem>>
      %swap3A_142 = arith.constant 0 : index
      %swap3A_143 = memref.load %arg3[%swap3A_142] : memref<16xf32, #tpu.memory_space<smem>>
      memref.store %get3A_141, %arg3[%swap3A_142] : memref<16xf32, #tpu.memory_space<smem>>
      %get3A_144 = arith.constant 1 : index
      %get3A_145 = memref.load %arg2[%get3A_144] : memref<8xf32, #tpu.memory_space<smem>>
      %swap3A_146 = arith.constant 1 : index
      %swap3A_147 = memref.load %arg3[%swap3A_146] : memref<16xf32, #tpu.memory_space<smem>>
      memref.store %get3A_145, %arg3[%swap3A_146] : memref<16xf32, #tpu.memory_space<smem>>
      %get3A_148 = arith.constant 2 : index
      %get3A_149 = memref.load %arg2[%get3A_148] : memref<8xf32, #tpu.memory_space<smem>>
      %swap3A_150 = arith.constant 2 : index
      %swap3A_151 = memref.load %arg3[%swap3A_150] : memref<16xf32, #tpu.memory_space<smem>>
      memref.store %get3A_149, %arg3[%swap3A_150] : memref<16xf32, #tpu.memory_space<smem>>
      %get3A_152 = arith.constant 3 : index
      %get3A_153 = memref.load %arg2[%get3A_152] : memref<8xf32, #tpu.memory_space<smem>>
      %swap3A_154 = arith.constant 3 : index
      %swap3A_155 = memref.load %arg3[%swap3A_154] : memref<16xf32, #tpu.memory_space<smem>>
      memref.store %get3A_153, %arg3[%swap3A_154] : memref<16xf32, #tpu.memory_space<smem>>
      %get3A_156 = arith.constant 4 : index
      %get3A_157 = memref.load %arg2[%get3A_156] : memref<8xf32, #tpu.memory_space<smem>>
      %swap3A_158 = arith.constant 4 : index
      %swap3A_159 = memref.load %arg3[%swap3A_158] : memref<16xf32, #tpu.memory_space<smem>>
      memref.store %get3A_157, %arg3[%swap3A_158] : memref<16xf32, #tpu.memory_space<smem>>
      %get3A_160 = arith.constant 5 : index
      %get3A_161 = memref.load %arg2[%get3A_160] : memref<8xf32, #tpu.memory_space<smem>>
      %swap3A_162 = arith.constant 5 : index
      %swap3A_163 = memref.load %arg3[%swap3A_162] : memref<16xf32, #tpu.memory_space<smem>>
      memref.store %get3A_161, %arg3[%swap3A_162] : memref<16xf32, #tpu.memory_space<smem>>
      %get3A_164 = arith.constant 6 : index
      %get3A_165 = memref.load %arg2[%get3A_164] : memref<8xf32, #tpu.memory_space<smem>>
      %swap3A_166 = arith.constant 6 : index
      %swap3A_167 = memref.load %arg3[%swap3A_166] : memref<16xf32, #tpu.memory_space<smem>>
      memref.store %get3A_165, %arg3[%swap3A_166] : memref<16xf32, #tpu.memory_space<smem>>
      %get3A_168 = arith.constant 7 : index
      %get3A_169 = memref.load %arg2[%get3A_168] : memref<8xf32, #tpu.memory_space<smem>>
      %swap3A_170 = arith.constant 7 : index
      %swap3A_171 = memref.load %arg3[%swap3A_170] : memref<16xf32, #tpu.memory_space<smem>>
      memref.store %get3A_169, %arg3[%swap3A_170] : memref<16xf32, #tpu.memory_space<smem>>
      %swap3A_172 = arith.constant -1.000000e+00 : f32
      %swap3A_173 = arith.constant 8 : index
      %swap3A_174 = memref.load %arg3[%swap3A_173] : memref<16xf32, #tpu.memory_space<smem>>
      memref.store %swap3A_172, %arg3[%swap3A_173] : memref<16xf32, #tpu.memory_space<smem>>
      %swap3A_175 = arith.constant -1.000000e+00 : f32
      %swap3A_176 = arith.constant 9 : index
      %swap3A_177 = memref.load %arg3[%swap3A_176] : memref<16xf32, #tpu.memory_space<smem>>
      memref.store %swap3A_175, %arg3[%swap3A_176] : memref<16xf32, #tpu.memory_space<smem>>
      %swap3A_178 = arith.constant -1.000000e+00 : f32
      %swap3A_179 = arith.constant 10 : index
      %swap3A_180 = memref.load %arg3[%swap3A_179] : memref<16xf32, #tpu.memory_space<smem>>
      memref.store %swap3A_178, %arg3[%swap3A_179] : memref<16xf32, #tpu.memory_space<smem>>
      %swap3A_181 = arith.constant -1.000000e+00 : f32
      %swap3A_182 = arith.constant 11 : index
      %swap3A_183 = memref.load %arg3[%swap3A_182] : memref<16xf32, #tpu.memory_space<smem>>
      memref.store %swap3A_181, %arg3[%swap3A_182] : memref<16xf32, #tpu.memory_space<smem>>
      %swap3A_184 = arith.constant -1.000000e+00 : f32
      %swap3A_185 = arith.constant 12 : index
      %swap3A_186 = memref.load %arg3[%swap3A_185] : memref<16xf32, #tpu.memory_space<smem>>
      memref.store %swap3A_184, %arg3[%swap3A_185] : memref<16xf32, #tpu.memory_space<smem>>
      %swap3A_187 = arith.constant -1.000000e+00 : f32
      %swap3A_188 = arith.constant 13 : index
      %swap3A_189 = memref.load %arg3[%swap3A_188] : memref<16xf32, #tpu.memory_space<smem>>
      memref.store %swap3A_187, %arg3[%swap3A_188] : memref<16xf32, #tpu.memory_space<smem>>
      %swap3A_190 = arith.constant -1.000000e+00 : f32
      %swap3A_191 = arith.constant 14 : index
      %swap3A_192 = memref.load %arg3[%swap3A_191] : memref<16xf32, #tpu.memory_space<smem>>
      memref.store %swap3A_190, %arg3[%swap3A_191] : memref<16xf32, #tpu.memory_space<smem>>
      %swap3A_193 = arith.constant -1.000000e+00 : f32
      %swap3A_194 = arith.constant 15 : index
      %swap3A_195 = memref.load %arg3[%swap3A_194] : memref<16xf32, #tpu.memory_space<smem>>
      memref.store %swap3A_193, %arg3[%swap3A_194] : memref<16xf32, #tpu.memory_space<smem>>
    } else {
    }
    return
  }
  func.func @transform_0(%arg0: i32) -> (i32, i32) {
    %c0_i32 = arith.constant 0 : i32
    %c0_i32_0 = arith.constant 0 : i32
    return %arg0, %c0_i32 : i32, i32
  }
  func.func @transform_1(%arg0: i32) -> i32 {
    %c0_i32 = arith.constant 0 : i32
    %c0_i32_0 = arith.constant 0 : i32
    return %c0_i32 : i32
  }
  func.func @transform_2(%arg0: i32) -> i32 {
    %c0_i32 = arith.constant 0 : i32
    %c0_i32_0 = arith.constant 0 : i32
    return %c0_i32 : i32
  }
}

</mosaic_0001>

<sc_bundles>
// kernel: kernel.5.cloned.1.call-start
scs
__scs_entry_jumppad:
0x0: {  	(pc) =	sbr.rel $0x88, $3  }
0x1: {  	(tag) =	ssettag $0x0;
	lr =	simm.s32 $0x1  }
0x2: {  	[smem:$0x3F9E] =	sst lr;
	_ =	strace $0xD0000000  }
0x3: {  	_ = 	snop  }
0x4: {  	_ = 	snop  }
0x5: {  	_ = 	snop  }
0x6: {  	_ = 	snop  }
0x7: {  	_ = 	snop  }
__scs_overlays_trampoline_lowered:
0x8: {  	[smem:$0x3FAD] =	sst s0  }
0x9: {  	[smem:$0x3FAE] =	sst s1  }
0xa: {  	[smem:$0x3FAF] =	sst s2  }
0xb: {  	[smem:$0x3FB0] =	sst s3  }
0xc: {  	[smem:$0x3FB1] =	sst s4  }
0xd: {  	[smem:$0x3FB2] =	sst s5  }
0xe: {  	[smem:$0x3FB3] =	sst s6  }
0xf: {  	[smem:$0x3FB4] =	sst s7  }
0x10: {  	[smem:$0x3FB5] =	sst s8  }
0x11: {  	[smem:$0x3FB6] =	sst s9;
	s0 =	simm.s32 @!p0 $0x0  }
0x12: {  	s1 =	sld [smem:$0x3F9C];
	s0 =	simm.s32 @p0 $0x1  }
0x13: {  	[smem:$0x3FB7] =	sst s0;
	s0 =	simm.s32 @!p1 $0x0  }
0x14: {  	s2 =	sld [smem:$0x3F9B];
	s0 =	simm.s32 @p1 $0x1  }
0x15: {  	[smem:$0x3FB8] =	sst s0;
	s0 =	simm.s32 @!p2 $0x0  }
0x16: {  	s3 =	sld [smem:$0x3FDB];
	s0 =	simm.s32 @p2 $0x1  }
0x17: {  	s4 =	simm.s32 $0x1BF5;
	[smem:$0x3FBA] =	sst s0  }
0x18: {  	s0 =	sld [smem:$0x3F9D];
	_ =	swait.ge [sflag:s4], $0x0  }
0x19: {  	s7 =	sld [smem:$0x3F9E]  }
0x1a: {  	s8 =	sadd.s32 $0xFFFFE003, lr  }
0x1b: {  	s9 =	sadd.s32 $0xFFFFFEF7, lr;
	s5 =	simm.s32 $0xFFFFFFFF;
	p2 =	slt.u32 s8, $0xFFFFF086  }
0x1c: {  	p1 =	slt.u32 s9, $0xF7A;
	s5 =	simm.s32 @!p2 $0x0  }
0x1d: {  	s5 =	simm.s32 @p1 $0x1;
	p0 =	seq.s32 s7, s2  }
0x1e: {  	s7 =	smul.u32 @!p0 $0xF7A, s2;
	p2 =	seq.s32 @!p0 s5, $0x0  }
0x1f: {  	s9 =	smul.u32 $0xF7A, s1;
	s8 =	simm.s32 @!p0 $0x1BF5;
	p2 =	por !p2, p0  }
0x20: {  	[sflag:s8] =	ssyncset.s32 @!p0 $0xFFFFF086;
	s6 =	sadd.s32 @!p0 s3, s7;
	s7 =	simm.s32 @!p0 $0x108  }
0x21: {  	s3 =	sadd.s32 s3, s9;
	s6 =	sadd.s32 @!p0 $0x88, s6;
	s7 =	simm.s32 @p2 $0x1082  }
0x22: {  	[simem:s7], [sflag:s8] =	dma.local @!p0 [hbm:s6], $0xF7A  }
0x23: {  	s9 =	sor.u32 $0xD0000000, s2;
	s6 =	simm.s32 $0x108;
	_ =	swait.ge @!p0 [sflag:s8], $0x0  }
0x24: {  	s3 =	sadd.s32 $0x88, s3;
	s6 =	simm.s32 @!p1 $0x1082;
	[sflag:s4] =	ssyncset.s32 $0xFFFFF086  }
0x25: {  	[simem:s6], [sflag:s4] =	dma.local [hbm:s3], $0xF7A  }
0x26: {  	[smem:$0x3F9E] =	sst s1;
	(tag) =	ssettag s2;
	_ =	strace s9  }
0x27: {  	s1 =	sld [smem:$0x3FAE]  }
0x28: {  	s2 =	sld [smem:$0x3FAF]  }
0x29: {  	s4 =	sld [smem:$0x3FB1]  }
0x2a: {  	p0 =	seq.s32 s5, $0x0;
	s5 =	sld [smem:$0x3FB2]  }
0x2b: {  	s6 =	sld [smem:$0x3FB3]  }
0x2c: {  	s7 =	sld [smem:$0x3FB4]  }
0x2d: {  	s3 =	simm.s32 $0x108;
	s8 =	sld [smem:$0x3FB5]  }
0x2e: {  	s3 =	simm.s32 @!p0 $0x1082;
	s9 =	sld [smem:$0x3FB6]  }
0x2f: {  	lr =	sadd.s32 s0, s3;
	s0 =	sld [smem:$0x3FAD]  }
0x30: {  	s3 =	sld [smem:$0x3FB0]  }
0x31: {  	[smem:$0x3FB9] =	sst s10  }
0x32: {  	s10 =	sld [smem:$0x3FB7];
	_ =	sdelay $0x3  }
0x33: {  	p0 =	seq.s32 s10, $0x1;
	s10 =	sld [smem:$0x3FB9];
	_ =	sdelay $0x3  }
0x34: {  	[smem:$0x3FB9] =	sst s10  }
0x35: {  	s10 =	sld [smem:$0x3FB8];
	_ =	sdelay $0x3  }
0x36: {  	p1 =	seq.s32 s10, $0x1;
	s10 =	sld [smem:$0x3FB9];
	_ =	sdelay $0x3  }
0x37: {  	[smem:$0x3FB9] =	sst s10  }
0x38: {  	s10 =	sld [smem:$0x3FBA]  }
0x39: {  	_ = 	snop;
	(pc) =	sbr.ind lr, $3  }
0x3a: {  	_ = 	snop  }
0x3b: {  	_ = 	snop  }
0x3c: {  	p2 =	seq.s32 s10, $0x1;
	s10 =	sld [smem:$0x3FB9]  }
0x3d: {  	_ =	shalt  }
0x3e: {  	_ =	shalt  }
0x3f: {  	_ =	shalt  }
0x40: {  	_ =	shalt  }
0x41: {  	_ =	shalt  }
0x42: {  	_ =	shalt  }
0x43: {  	_ =	shalt  }
0x44: {  	_ =	shalt  }
0x45: {  	_ =	shalt  }
0x46: {  	_ =	shalt  }
0x47: {  	_ =	shalt  }
0x48: {  	_ =	shalt  }
0x49: {  	_ =	shalt  }
0x4a: {  	_ =	shalt  }
0x4b: {  	_ =	shalt  }
0x4c: {  	_ =	shalt  }
0x4d: {  	_ =	shalt  }
0x4e: {  	_ =	shalt  }
0x4f: {  	_ =	shalt  }
0x50: {  	_ =	shalt  }
0x51: {  	_ =	shalt  }
0x52: {  	_ =	shalt  }
0x53: {  	_ =	shalt  }
0x54: {  	_ =	shalt  }
0x55: {  	_ =	shalt  }
0x56: {  	_ =	shalt  }
0x57: {  	_ =	shalt  }
0x58: {  	_ =	shalt  }
0x59: {  	_ =	shalt  }
0x5a: {  	_ =	shalt  }
0x5b: {  	_ =	shalt  }
0x5c: {  	_ =	shalt  }
0x5d: {  	_ =	shalt  }
0x5e: {  	_ =	shalt  }
0x5f: {  	_ =	shalt  }
0x60: {  	_ =	shalt  }
0x61: {  	_ =	shalt  }
0x62: {  	_ =	shalt  }
0x63: {  	_ =	shalt  }
0x64: {  	_ =	shalt  }
0x65: {  	_ =	shalt  }
0x66: {  	_ =	shalt  }
0x67: {  	_ =	shalt  }
0x68: {  	_ =	shalt  }
0x69: {  	_ =	shalt  }
0x6a: {  	_ =	shalt  }
0x6b: {  	_ =	shalt  }
0x6c: {  	_ =	shalt  }
0x6d: {  	_ =	shalt  }
0x6e: {  	_ =	shalt  }
0x6f: {  	_ =	shalt  }
0x70: {  	_ =	shalt  }
0x71: {  	_ =	shalt  }
0x72: {  	_ =	shalt  }
0x73: {  	_ =	shalt  }
0x74: {  	_ =	shalt  }
0x75: {  	_ =	shalt  }
0x76: {  	_ =	shalt  }
0x77: {  	_ =	shalt  }
0x78: {  	_ =	shalt  }
0x79: {  	_ =	shalt  }
0x7a: {  	_ =	shalt  }
0x7b: {  	_ =	shalt  }
0x7c: {  	_ =	shalt  }
0x7d: {  	_ =	shalt  }
0x7e: {  	_ =	shalt  }
0x7f: {  	_ =	shalt  }
0x80: {  	_ =	shalt  }
0x81: {  	_ =	shalt  }
0x82: {  	_ =	shalt  }
0x83: {  	_ =	shalt  }
0x84: {  	_ =	shalt  }
0x85: {  	_ =	shalt  }
0x86: {  	_ =	shalt  }
0x87: {  	_ =	shalt  }
.Lfunc_end0:
.L_simem_size_0:
called_computation_lowered:
.L_overlay_start_0:
0x88: {  	s2 =	sld [smem:$0x3FD9]  }
0x89: {  	s3 =	sld [smem:$0x3FFE];
	_ =	sdelay $0x1  }
0x8a: {  	s1 =	srdreg.scid  }
0x8b: {  	s0 =	sand.u32 $0x1, s1  }
0x8c: {  	s14 =	sshll.u32 s0, $0xA;
	s2 =	sadd.s32 s3, s2  }
0x8d: {  	s2 =	sadd.s32 s2, s14  }
0x8e: {  	[smem:$0x3FC5] =	sst s2  }
0x8f: {  	_ = 	snop  }
0x90: {  	s2 =	sld [smem:$0x3FD0];
	_ =	sdelay $0x2  }
0x91: {  	s15 =	simm.s32 $0xA;
	s4 =	simm.s32 $0x10  }
0x92: {  	[smem:s4], [sflag:s15] =	dma.local [hbm:s2], $0x1  }
0x93: {  	_ =	swait.eq [sflag:s15], $0x1  }
0x94: {  	[sflag:s15] =	ssyncset.done $0x0  }
0x95: {  	[sflag:s15] =	ssyncadd.s32 $0xFFFFFFFF  }
0x96: {  	s16 =	sld [smem:$0x10];
	(tm) =	ssettm $0x1  }
0x97: {  	s17 =	sld [smem:$0x3FFB];
	_ =	sdelay $0x3  }
0x98: {  	_ =	strace s17  }
0x99: {  	s3 =	sld [smem:$0x3FFC];
	_ =	sdelay $0x3  }
0x9a: {  	_ =	strace s3  }
0x9b: {  	s3 =	sld [smem:$0x3FFD];
	_ =	sdelay $0x3  }
0x9c: {  	_ =	strace s3  }
0x9d: {  	_ =	strace $0x8FFFFFFF  }
0x9e: {  	s18 =	sld [smem:$0x3FDB];
	_ =	sdelay $0x1  }
0x9f: {  	s19 =	simm.s32 $_scs_section_size  }
0xa0: {  	s5 =	simm.s32 $_size__tile_overlayer_lowered;
	s6 =	simm.s32 $_tile_overlayer_lowered  }
0xa1: {  	s22 =	simm.s32 $0x1BFF;
	s21 =	sshll.u32 s6, $0x1;
	s3 =	sadd.s32 s19, s18  }
0xa2: {  	s7 =	simm.s32 $0x0;
	s20 =	sshll.u32 s5, $0x1;
	s5 =	sadd.s32 s21, s3  }
0xa3: {  	[timem:s7], [sflag:s22] =	dma.local [hbm:s5], s20  }
0xa4: {  	_ =	swait.ge [sflag:s22], s20  }
0xa5: {  	s4 =	ssub.s32 $0x0, s20;
	[sflag:s22] =	ssyncset.done $0x0  }
0xa6: {  	[sflag:s22] =	ssyncadd.s32 s4;
	_ =	sdelay $0x1  }
0xa7: {  	s23 =	simm.s32 $0x1B8B  }
0xa8: {  	_ =	swait.ge [sflag:s23], $0x1  }
0xa9: {  	[sflag:s23] =	ssyncset.done $0x0  }
0xaa: {  	s25 =	simm.s32 $0x1B8E;
	s24 =	sld [smem:$0x3FFE];
	[sflag:s23] =	ssyncadd.s32 $0xFFFFFFFF  }
0xab: {  	s26 =	simm.s32 $execute0_lowered;
	[smem:$0x3FD2] =	sst s25  }
0xac: {  	s5 =	sshll.u32 s26, $0x1;
	_ =	strace $0x80000046;
	[dreg:$0x1] =	wrdreg $0xFFFFFFFF  }
0xad: {  	s28 =	simm.s32 $_size_execute0_lowered;
	s3 =	sadd.s32 s3, s5;
	[dreg:$0x0] =	wrdreg $0x0  }
0xae: {  	s5 =	sshll.u32 s28, $0x1;
	[dreg:$0x2] =	wrdreg s3  }
0xaf: {  	[dreg:$0x3] =	wrdreg s5  }
0xb0: {  	[dreg:$0x4] =	wrdreg $0xC0  }
0xb1: {  	_ =	task [dreg:s7], $0x5FFFF  }
0xb2: {  	[dreg:$0x1] =	wrdreg $0xFFFFFFFF  }
0xb3: {  	[dreg:$0x0] =	wrdreg $0x60  }
0xb4: {  	[dreg:$0x2] =	wrdreg s16  }
0xb5: {  	[dreg:$0x3] =	wrdreg s24  }
0xb6: {  	[dreg:$0x4] =	wrdreg $0x9  }
0xb7: {  	_ =	task.clear_ibuf [dreg:s7], $0x5FFFF;
	_ =	strace $0x90000046  }
0xb8: {  	s29 =	simm.s32 $0x9;
	_ =	strace $0x80000048  }
0xb9: {  	_ =	swait.ge [sflag:s29], $0x1  }
0xba: {  	[sflag:s29] =	ssyncadd.s32 $0xFFFFFFFF  }
0xbb: {  	_ =	strace $0x90000048  }
0xbc: {  	_ =	sfence  }
0xbd: {  	s30 =	sld [smem:$0x0];
	_ =	sdelay $0x2  }
0xbe: {  	s31 =	sshll.u32 s1, $0xD;
	s1 =	sshrl.u32 s1, $0x2  }
0xbf: {  	s3 =	sand.u32 $0x4000, s31;
	s1 =	sadd.s32 s1, s30  }
0xc0: {  	s0 =	sor.u32 s3, s0;
	s1 =	sshll.u32 s1, $0x11  }
0xc1: {  	s0 =	sor.u32 s1, s0  }
0xc2: {  	s0 =	sadd.s32 $0x8F2B, s0  }
0xc3: {  	[sflag:s0] =	ssyncadd.remote.s32 $0x1  }
0xc4: {  	_ =	sfence.sel $0xFFFF  }
0xc5: {  	[dreg:$0x0] =	wrdreg $0xFFFFFFFF;
	(pc) =	sbr.abs _section_cstart, $3  }
0xc6: {  	[dreg:$0x1] =	wrdreg $0xFFFFFFFF  }
0xc7: {  	_ =	task.clear_ibuf [dreg:s7], $0x2FFFF;
	_ =	strace $0x9FFFFFFF  }
0xc8: {  	(tm) =	ssettm $0x7FFFFFFF  }
0xc9: {  	_ =	shalt  }
tec
execute0_lowered:
.L_overlay_start_1:
0x0: {  	(tag) =	ssettag $0x1  }
0x1: {  	s0 =	srdreg.scid  }
0x2: {  	s6 =	sand.u32 $0x1, s0;
	s0 =	stileid.u32  }
0x3: {  	s3 =	sshll.u32 s0, $0x1;
	s4 =	ssub.s32 $0x0, s6  }
0x4: {  	p0 =	sne.s32 s3, s4  }
.Ltmp0:
0x5: {  	_ = 	snop;
	(pc) =	sbr.rel @p0 .LBB2_4-.Ltmp0, $4  }
0x6: {  	_ = 	snop  }
0x7: {  	s2 =	rddreg [dreg:$0x0]  }
0x8: {  	s5 =	rddreg [dreg:$0x1]  }
0x9: {  	s1 =	rddreg [dreg:$0x2];
	_ =	strace $0x80000047  }
0xa: {  	s4 =	simm.s32 $0x0;
	s3 =	simm.s32 $0x1  }
0xb: {  	[tilespmem:s4], [sflag:$0x1] =	stream.linear.gather [hbm4b:s2+s4], $0x80, $0x38;
	[tilespmem:$0x100] =	vst v63  }
0xc: {  	_ =	swait.ge [sflag:s3], $0x80  }
0xd: {  	[sflag:s3] =	ssyncset.done $0x0  }
0xe: {  	[sflag:s3] =	ssyncadd.s32 $0xFFFFFF80  }
0xf: {  	v1 =	vld [tilespmem:$0x0];
	_ =	sdelay $0x3  }
0x10: {  	v0 =	vlaneseq.u32  }
0x11: {  	(xrf1) =	vsort.dscd.msk.f32 $0xffff, v1, v0;
	_ =	sdelay $0x8  }
0x12: {  	s6 =	ssub.s32 $0x2, s6  }
0x13: {  	s7 =	sshrl.u32 s6, $0x1  }
0x14: {  	s6 =	ssub.s32 s6, s7  }
0x15: {  	s7 =	smax.u32 s6, $0x1  }
0x16: {  	p0 =	sne.s32 s7, $0x1  }
.Ltmp1:
0x17: {  	_, v1, _ =	vpop (xrf1);
	(pc) =	sbr.rel @!p0 .LBB2_3-.Ltmp1, $4  }
0x18: {  	s5 =	sadd.s32 $0xE00, s5;
	s6 =	simm.s32 $0x80;
	[tilespmem:$0x80] =	vst v1  }
0x19: {  	[hbm4b:s5+s4] =	stream.linear.scatter [tilespmem:s6], [sflag:$0x1], $0x8, $0x38;
	[tilespmem:$0x100] =	vst v63  }
0x1a: {  	_ =	swait.ge [sflag:s3], $0x8  }
0x1b: {  	s7 =	sadd.s32 $0xFFFFFFFF, s7;
	[sflag:s3] =	ssyncset.done $0x0  }
.LBB2_2:
0x1c: {  	p0 =	sne.s32 s7, $0x1;
	s7 =	sadd.s32 $0xFFFFFFFF, s7;
	[sflag:s3] =	ssyncadd.s32 $0xFFFFFFF8  }
0x1d: {  	[tilespmem:s4], [sflag:$0x1] =	stream.linear.gather [hbm4b:s2+s4], $0x80, $0x38;
	[tilespmem:$0x100] =	vst v63  }
0x1e: {  	_ =	swait.ge [sflag:s3], $0x80  }
0x1f: {  	[sflag:s3] =	ssyncset.done $0x0  }
0x20: {  	[sflag:s3] =	ssyncadd.s32 $0xFFFFFF80  }
0x21: {  	v1 =	vld [tilespmem:$0x0];
	_ =	sdelay $0x4  }
0x22: {  	(xrf1) =	vsort.dscd.msk.f32 $0xffff, v1, v0;
	_ =	sdelay $0xd  }
.Ltmp2:
0x23: {  	_, v1, _ =	vpop (xrf1);
	(pc) =	sbr.rel @p0 .LBB2_2-.Ltmp2, $4  }
0x24: {  	[tilespmem:$0x80] =	vst v1  }
0x25: {  	[hbm4b:s5+s4] =	stream.linear.scatter [tilespmem:s6], [sflag:$0x1], $0x8, $0x38;
	[tilespmem:$0x100] =	vst v63  }
0x26: {  	_ =	swait.ge [sflag:s3], $0x8  }
0x27: {  	[sflag:s3] =	ssyncset.done $0x0  }
.LBB2_3:
0x28: {  	[sflag:s3] =	ssyncadd.s32 $0xFFFFFFF8  }
.LBB2_4:
0x29: {  	_ =	sfence.sel $0x180000  }
0x2a: {  	[bflag:$0x0] =	sbarrier.arrive $0xFFFF  }
0x2b: {  	p0 =	sne.s32 s0, $0x0;
	_ =	strace $0x90000047  }
0x2c: {  	s0 =	sadd.s32 @!p0 $0x100000, s1;
	[bflag:$0x2] =	sbarrier.arrive $0xFFFF  }
0x2d: {  	[sflag:s0] =	ssyncadd.tile.s32 @!p0 $0x1;
	_ =	shalt  }
.Lfunc_end2:
_tile_overlayer_lowered:
.L_overlay_start_2:
0x2e: {  	(tag) =	ssettag $0x2  }
0x2f: {  	s0 =	rddreg [dreg:$0x0];
	s2 =	stileid.u32  }
0x30: {  	s1 =	rddreg [dreg:$0x1];
	p0 =	sne.s32 s2, $0x0  }
0x31: {  	s3 =	rddreg [dreg:$0x2];
	[bflag:$0x3] =	sbarrier.arrive $0xFFFF;
	s2 =	simm.s32 @!p0 $0x1C01  }
0x32: {  	[timem:s3], [sflag:s2] =	dma.local @!p0 [hbm:s0], s1  }
0x33: {  	s0 =	simm.s32 @!p0 $0x1  }
0x34: {  	_ =	swait.ge @!p0 [sflag:s0], s1  }
0x35: {  	s1 =	ssub.s32 @!p0 $0x0, s1;
	[sflag:s0] =	ssyncset.done @!p0 $0x0  }
0x36: {  	[sflag:s0] =	ssyncadd.s32 @!p0 s1  }
0x37: {  	[bflag:$0x3] =	sbarrier.arrive $0xFFFF  }
0x38: {  	_ =	shalt  }

</sc_bundles>
